<compile_context>
chip_gen: v7x
topology: tpu7x:2x2x1
jax: 0.10.2.dev20260603
libtpu: 0.0.44.dev20260713+nightly
codegen_flags: <defaults>
</compile_context>

<pallas_src>
import functools

import jax
import jax.numpy as jnp
from jax import lax
from jax.experimental import pallas as pl
from jax.experimental.pallas import tpu as pltpu
from jax.experimental.pallas import tpu_sc as plsc


def kernel(output, encoder_outputs, encoder_sequence_lengths):
    del output
    B, T, D = encoder_outputs.shape
    flat = encoder_outputs.reshape(B * T, D)
    lengths = jnp.asarray(encoder_sequence_lengths, jnp.int32)
    half = B // 2

    mesh = plsc.ScalarSubcoreMesh(axis_name="c", num_cores=2)

    @functools.partial(
        pl.kernel,
        mesh=mesh,
        out_type=jax.ShapeDtypeStruct((B, D), jnp.float32),
        scratch_types=[
            pltpu.SMEM((B,), jnp.int32),
            pltpu.SemaphoreType.DMA,
        ],
    )
    def gather_last(table_hbm, len_hbm, out_hbm, len_s, sem):
        core = lax.axis_index("c")
        base = core * half
        pltpu.sync_copy(len_hbm, len_s)
        for j in range(half):
            b = base + j
            idx = len_s[b] - 1 + b * T
            pltpu.async_copy(
                table_hbm.at[pl.ds(idx, 1)], out_hbm.at[pl.ds(b, 1)], sem
            )
        pltpu.make_async_copy(
            table_hbm.at[pl.ds(0, half)], out_hbm.at[pl.ds(base, half)], sem
        ).wait()

    return gather_last(flat, lengths)

# --- scband reference (transcript-rebuilt; emitter-appended) ---
"""Pipeline reference for scband-no-attention-7129645711645 (READ-ONLY COPY).

The authoritative reference and input builder live on the scoring server;
editing this copy changes nothing except your own understanding.
"""

import jax, jax.numpy as jnp
import numpy as np

B = 16
T = 4096
D = 1024

def setup_inputs(seed: int = 0) -> dict:
    key = jax.random.key(seed)
    k1, k2, k3 = jax.random.split(key, 3)
    output = jax.random.normal(k1, (B, D), dtype=jnp.float32)
    encoder_outputs = jax.random.normal(k2, (B, T, D), dtype=jnp.float32)
    # lengths in [1, T] so that index (length - 1) is always valid
    encoder_sequence_lengths = jax.random.randint(k3, (B,), 1, T + 1, dtype=jnp.int64)
    return {
        "output": output,
        "encoder_outputs": encoder_outputs,
        "encoder_sequence_lengths": encoder_sequence_lengths,
    }

def reference(output, encoder_outputs, encoder_sequence_lengths):
    # Equivalent to: for each sequence i, take encoder_outputs[i, lengths[i]-1, :]
    # (torch unpad_sequence then x[-1], stacked over batch)
    idx = encoder_sequence_lengths - 1  # [B]
    batch_idx = jnp.arange(encoder_outputs.shape[0])
    # gather: SparseCore-friendly row gather along time axis
    return encoder_outputs[batch_idx, idx]  # [B, D]

if __name__ == "__main__":
    import jax
    _d = setup_inputs()
    print(jax.jit(kernel)(*tuple(_d.values())))

</pallas_src>

<mosaic_0001>
#map = affine_map<(d0) -> (0, 0)>
#map1 = affine_map<(d0) -> (0)>
module attributes {stable_mosaic.version = 14 : i64} {
  func.func @gather_last(%arg0: i32, %arg1: memref<65536x1024xf32, #tpu.memory_space<hbm>>, %arg2: memref<16xi32, #tpu.memory_space<hbm>>, %arg3: memref<16x1024xf32, #tpu.memory_space<hbm>>, %arg4: memref<16xi32, #tpu.memory_space<smem>>, %arg5: memref<!tpu.dma_semaphore, #tpu.memory_space<semaphore_mem>>) attributes {dimension_semantics = [#tpu.dimension_semantics<core_parallel>], iteration_bounds = array<i64: 2>, scalar_prefetch = 0 : i64, scratch_operands = 2 : i64, tpu.core_type = #tpu.core_type<sc_scalar_subcore>, window_params = [{transform_indices = #map}, {transform_indices = #map1}, {transform_indices = #map}]} {
    %mul3A = arith.constant 8 : i32
    %mul3A_0 = arith.muli %arg0, %mul3A : i32
    "tpu.region"() ({
      %run_scoped3A = tpu.sem_alloc : memref<!tpu.dma_semaphore, #tpu.memory_space<semaphore_mem>>
      tpu.enqueue_dma source(%arg2 : memref<16xi32, #tpu.memory_space<hbm>>) target(%arg4 : memref<16xi32, #tpu.memory_space<smem>>) target_semaphore(%run_scoped3A : memref<!tpu.dma_semaphore, #tpu.memory_space<semaphore_mem>>)
      tpu.wait_dma2 semaphore(%run_scoped3A : memref<!tpu.dma_semaphore, #tpu.memory_space<semaphore_mem>>) src(%arg2 : memref<16xi32, #tpu.memory_space<hbm>>) dst(%arg4 : memref<16xi32, #tpu.memory_space<smem>>)
      tpu.yield
    }) : () -> ()
    %add3A = arith.constant 0 : i32
    %add3A_1 = arith.addi %mul3A_0, %add3A : i32
    %get3A = arith.index_cast %add3A_1 : i32 to index
    %get3A_2 = memref.load %arg4[%get3A] : memref<16xi32, #tpu.memory_space<smem>>
    %sub3A = arith.constant 1 : i32
    %sub3A_3 = arith.subi %get3A_2, %sub3A : i32
    %mul3A_4 = arith.constant 4096 : i32
    %mul3A_5 = arith.muli %add3A_1, %mul3A_4 : i32
    %add3A_6 = arith.addi %sub3A_3, %mul3A_5 : i32
    %dma_start3A = arith.constant 0 : i32
    %dma_start3A_7 = tpu.memref_slice %arg3[%add3A_1, %dma_start3A] : memref<16x1024xf32, #tpu.memory_space<hbm>> -> memref<1x1024xf32, #tpu.memory_space<hbm>>
    %dma_start3A_8 = arith.constant 0 : i32
    %dma_start3A_9 = tpu.memref_slice %arg1[%add3A_6, %dma_start3A_8] : memref<65536x1024xf32, #tpu.memory_space<hbm>> -> memref<1x1024xf32, #tpu.memory_space<hbm>>
    tpu.enqueue_dma source(%dma_start3A_9 : memref<1x1024xf32, #tpu.memory_space<hbm>>) target(%dma_start3A_7 : memref<1x1024xf32, #tpu.memory_space<hbm>>) target_semaphore(%arg5 : memref<!tpu.dma_semaphore, #tpu.memory_space<semaphore_mem>>)
    %add3A_10 = arith.constant 1 : i32
    %add3A_11 = arith.addi %mul3A_0, %add3A_10 : i32
    %get3A_12 = arith.index_cast %add3A_11 : i32 to index
    %get3A_13 = memref.load %arg4[%get3A_12] : memref<16xi32, #tpu.memory_space<smem>>
    %sub3A_14 = arith.constant 1 : i32
    %sub3A_15 = arith.subi %get3A_13, %sub3A_14 : i32
    %mul3A_16 = arith.constant 4096 : i32
    %mul3A_17 = arith.muli %add3A_11, %mul3A_16 : i32
    %add3A_18 = arith.addi %sub3A_15, %mul3A_17 : i32
    %dma_start3A_19 = arith.constant 0 : i32
    %dma_start3A_20 = tpu.memref_slice %arg3[%add3A_11, %dma_start3A_19] : memref<16x1024xf32, #tpu.memory_space<hbm>> -> memref<1x1024xf32, #tpu.memory_space<hbm>>
    %dma_start3A_21 = arith.constant 0 : i32
    %dma_start3A_22 = tpu.memref_slice %arg1[%add3A_18, %dma_start3A_21] : memref<65536x1024xf32, #tpu.memory_space<hbm>> -> memref<1x1024xf32, #tpu.memory_space<hbm>>
    tpu.enqueue_dma source(%dma_start3A_22 : memref<1x1024xf32, #tpu.memory_space<hbm>>) target(%dma_start3A_20 : memref<1x1024xf32, #tpu.memory_space<hbm>>) target_semaphore(%arg5 : memref<!tpu.dma_semaphore, #tpu.memory_space<semaphore_mem>>)
    %add3A_23 = arith.constant 2 : i32
    %add3A_24 = arith.addi %mul3A_0, %add3A_23 : i32
    %get3A_25 = arith.index_cast %add3A_24 : i32 to index
    %get3A_26 = memref.load %arg4[%get3A_25] : memref<16xi32, #tpu.memory_space<smem>>
    %sub3A_27 = arith.constant 1 : i32
    %sub3A_28 = arith.subi %get3A_26, %sub3A_27 : i32
    %mul3A_29 = arith.constant 4096 : i32
    %mul3A_30 = arith.muli %add3A_24, %mul3A_29 : i32
    %add3A_31 = arith.addi %sub3A_28, %mul3A_30 : i32
    %dma_start3A_32 = arith.constant 0 : i32
    %dma_start3A_33 = tpu.memref_slice %arg3[%add3A_24, %dma_start3A_32] : memref<16x1024xf32, #tpu.memory_space<hbm>> -> memref<1x1024xf32, #tpu.memory_space<hbm>>
    %dma_start3A_34 = arith.constant 0 : i32
    %dma_start3A_35 = tpu.memref_slice %arg1[%add3A_31, %dma_start3A_34] : memref<65536x1024xf32, #tpu.memory_space<hbm>> -> memref<1x1024xf32, #tpu.memory_space<hbm>>
    tpu.enqueue_dma source(%dma_start3A_35 : memref<1x1024xf32, #tpu.memory_space<hbm>>) target(%dma_start3A_33 : memref<1x1024xf32, #tpu.memory_space<hbm>>) target_semaphore(%arg5 : memref<!tpu.dma_semaphore, #tpu.memory_space<semaphore_mem>>)
    %add3A_36 = arith.constant 3 : i32
    %add3A_37 = arith.addi %mul3A_0, %add3A_36 : i32
    %get3A_38 = arith.index_cast %add3A_37 : i32 to index
    %get3A_39 = memref.load %arg4[%get3A_38] : memref<16xi32, #tpu.memory_space<smem>>
    %sub3A_40 = arith.constant 1 : i32
    %sub3A_41 = arith.subi %get3A_39, %sub3A_40 : i32
    %mul3A_42 = arith.constant 4096 : i32
    %mul3A_43 = arith.muli %add3A_37, %mul3A_42 : i32
    %add3A_44 = arith.addi %sub3A_41, %mul3A_43 : i32
    %dma_start3A_45 = arith.constant 0 : i32
    %dma_start3A_46 = tpu.memref_slice %arg3[%add3A_37, %dma_start3A_45] : memref<16x1024xf32, #tpu.memory_space<hbm>> -> memref<1x1024xf32, #tpu.memory_space<hbm>>
    %dma_start3A_47 = arith.constant 0 : i32
    %dma_start3A_48 = tpu.memref_slice %arg1[%add3A_44, %dma_start3A_47] : memref<65536x1024xf32, #tpu.memory_space<hbm>> -> memref<1x1024xf32, #tpu.memory_space<hbm>>
    tpu.enqueue_dma source(%dma_start3A_48 : memref<1x1024xf32, #tpu.memory_space<hbm>>) target(%dma_start3A_46 : memref<1x1024xf32, #tpu.memory_space<hbm>>) target_semaphore(%arg5 : memref<!tpu.dma_semaphore, #tpu.memory_space<semaphore_mem>>)
    %add3A_49 = arith.constant 4 : i32
    %add3A_50 = arith.addi %mul3A_0, %add3A_49 : i32
    %get3A_51 = arith.index_cast %add3A_50 : i32 to index
    %get3A_52 = memref.load %arg4[%get3A_51] : memref<16xi32, #tpu.memory_space<smem>>
    %sub3A_53 = arith.constant 1 : i32
    %sub3A_54 = arith.subi %get3A_52, %sub3A_53 : i32
    %mul3A_55 = arith.constant 4096 : i32
    %mul3A_56 = arith.muli %add3A_50, %mul3A_55 : i32
    %add3A_57 = arith.addi %sub3A_54, %mul3A_56 : i32
    %dma_start3A_58 = arith.constant 0 : i32
    %dma_start3A_59 = tpu.memref_slice %arg3[%add3A_50, %dma_start3A_58] : memref<16x1024xf32, #tpu.memory_space<hbm>> -> memref<1x1024xf32, #tpu.memory_space<hbm>>
    %dma_start3A_60 = arith.constant 0 : i32
    %dma_start3A_61 = tpu.memref_slice %arg1[%add3A_57, %dma_start3A_60] : memref<65536x1024xf32, #tpu.memory_space<hbm>> -> memref<1x1024xf32, #tpu.memory_space<hbm>>
    tpu.enqueue_dma source(%dma_start3A_61 : memref<1x1024xf32, #tpu.memory_space<hbm>>) target(%dma_start3A_59 : memref<1x1024xf32, #tpu.memory_space<hbm>>) target_semaphore(%arg5 : memref<!tpu.dma_semaphore, #tpu.memory_space<semaphore_mem>>)
    %add3A_62 = arith.constant 5 : i32
    %add3A_63 = arith.addi %mul3A_0, %add3A_62 : i32
    %get3A_64 = arith.index_cast %add3A_63 : i32 to index
    %get3A_65 = memref.load %arg4[%get3A_64] : memref<16xi32, #tpu.memory_space<smem>>
    %sub3A_66 = arith.constant 1 : i32
    %sub3A_67 = arith.subi %get3A_65, %sub3A_66 : i32
    %mul3A_68 = arith.constant 4096 : i32
    %mul3A_69 = arith.muli %add3A_63, %mul3A_68 : i32
    %add3A_70 = arith.addi %sub3A_67, %mul3A_69 : i32
    %dma_start3A_71 = arith.constant 0 : i32
    %dma_start3A_72 = tpu.memref_slice %arg3[%add3A_63, %dma_start3A_71] : memref<16x1024xf32, #tpu.memory_space<hbm>> -> memref<1x1024xf32, #tpu.memory_space<hbm>>
    %dma_start3A_73 = arith.constant 0 : i32
    %dma_start3A_74 = tpu.memref_slice %arg1[%add3A_70, %dma_start3A_73] : memref<65536x1024xf32, #tpu.memory_space<hbm>> -> memref<1x1024xf32, #tpu.memory_space<hbm>>
    tpu.enqueue_dma source(%dma_start3A_74 : memref<1x1024xf32, #tpu.memory_space<hbm>>) target(%dma_start3A_72 : memref<1x1024xf32, #tpu.memory_space<hbm>>) target_semaphore(%arg5 : memref<!tpu.dma_semaphore, #tpu.memory_space<semaphore_mem>>)
    %add3A_75 = arith.constant 6 : i32
    %add3A_76 = arith.addi %mul3A_0, %add3A_75 : i32
    %get3A_77 = arith.index_cast %add3A_76 : i32 to index
    %get3A_78 = memref.load %arg4[%get3A_77] : memref<16xi32, #tpu.memory_space<smem>>
    %sub3A_79 = arith.constant 1 : i32
    %sub3A_80 = arith.subi %get3A_78, %sub3A_79 : i32
    %mul3A_81 = arith.constant 4096 : i32
    %mul3A_82 = arith.muli %add3A_76, %mul3A_81 : i32
    %add3A_83 = arith.addi %sub3A_80, %mul3A_82 : i32
    %dma_start3A_84 = arith.constant 0 : i32
    %dma_start3A_85 = tpu.memref_slice %arg3[%add3A_76, %dma_start3A_84] : memref<16x1024xf32, #tpu.memory_space<hbm>> -> memref<1x1024xf32, #tpu.memory_space<hbm>>
    %dma_start3A_86 = arith.constant 0 : i32
    %dma_start3A_87 = tpu.memref_slice %arg1[%add3A_83, %dma_start3A_86] : memref<65536x1024xf32, #tpu.memory_space<hbm>> -> memref<1x1024xf32, #tpu.memory_space<hbm>>
    tpu.enqueue_dma source(%dma_start3A_87 : memref<1x1024xf32, #tpu.memory_space<hbm>>) target(%dma_start3A_85 : memref<1x1024xf32, #tpu.memory_space<hbm>>) target_semaphore(%arg5 : memref<!tpu.dma_semaphore, #tpu.memory_space<semaphore_mem>>)
    %add3A_88 = arith.constant 7 : i32
    %add3A_89 = arith.addi %mul3A_0, %add3A_88 : i32
    %get3A_90 = arith.index_cast %add3A_89 : i32 to index
    %get3A_91 = memref.load %arg4[%get3A_90] : memref<16xi32, #tpu.memory_space<smem>>
    %sub3A_92 = arith.constant 1 : i32
    %sub3A_93 = arith.subi %get3A_91, %sub3A_92 : i32
    %mul3A_94 = arith.constant 4096 : i32
    %mul3A_95 = arith.muli %add3A_89, %mul3A_94 : i32
    %add3A_96 = arith.addi %sub3A_93, %mul3A_95 : i32
    %dma_start3A_97 = arith.constant 0 : i32
    %dma_start3A_98 = tpu.memref_slice %arg3[%add3A_89, %dma_start3A_97] : memref<16x1024xf32, #tpu.memory_space<hbm>> -> memref<1x1024xf32, #tpu.memory_space<hbm>>
    %dma_start3A_99 = arith.constant 0 : i32
    %dma_start3A_100 = tpu.memref_slice %arg1[%add3A_96, %dma_start3A_99] : memref<65536x1024xf32, #tpu.memory_space<hbm>> -> memref<1x1024xf32, #tpu.memory_space<hbm>>
    tpu.enqueue_dma source(%dma_start3A_100 : memref<1x1024xf32, #tpu.memory_space<hbm>>) target(%dma_start3A_98 : memref<1x1024xf32, #tpu.memory_space<hbm>>) target_semaphore(%arg5 : memref<!tpu.dma_semaphore, #tpu.memory_space<semaphore_mem>>)
    %dma_wait3A = arith.constant 0 : i32
    %dma_wait3A_101 = tpu.memref_slice %arg3[%mul3A_0, %dma_wait3A] : memref<16x1024xf32, #tpu.memory_space<hbm>> -> memref<8x1024xf32, #tpu.memory_space<hbm>>
    %dma_wait3A_102 = arith.constant 0 : i32
    %dma_wait3A_103 = arith.constant 0 : i32
    %dma_wait3A_104 = tpu.memref_slice %arg1[%dma_wait3A_102, %dma_wait3A_103] : memref<65536x1024xf32, #tpu.memory_space<hbm>> -> memref<8x1024xf32, #tpu.memory_space<hbm>>
    tpu.wait_dma2 semaphore(%arg5 : memref<!tpu.dma_semaphore, #tpu.memory_space<semaphore_mem>>) src(%dma_wait3A_104 : memref<8x1024xf32, #tpu.memory_space<hbm>>) dst(%dma_wait3A_101 : memref<8x1024xf32, #tpu.memory_space<hbm>>)
    return
  }
}

</mosaic_0001>

<sc_bundles>
// kernel: kernel.3.cloned.1.call-start
scs
__scs_entry_jumppad:
0x0: {  	(pc) =	sbr.rel $0x88, $3  }
0x1: {  	(tag) =	ssettag $0x0;
	lr =	simm.s32 $0x1  }
0x2: {  	[smem:$0x3F9F] =	sst lr;
	_ =	strace $0xD0000000  }
0x3: {  	_ = 	snop  }
0x4: {  	_ = 	snop  }
0x5: {  	_ = 	snop  }
0x6: {  	_ = 	snop  }
0x7: {  	_ = 	snop  }
__scs_overlays_trampoline_lowered:
0x8: {  	[smem:$0x3FAE] =	sst s0  }
0x9: {  	[smem:$0x3FAF] =	sst s1  }
0xa: {  	[smem:$0x3FB0] =	sst s2  }
0xb: {  	[smem:$0x3FB1] =	sst s3  }
0xc: {  	[smem:$0x3FB2] =	sst s4  }
0xd: {  	[smem:$0x3FB3] =	sst s5  }
0xe: {  	[smem:$0x3FB4] =	sst s6  }
0xf: {  	[smem:$0x3FB5] =	sst s7  }
0x10: {  	[smem:$0x3FB6] =	sst s8  }
0x11: {  	[smem:$0x3FB7] =	sst s9;
	s0 =	simm.s32 @!p0 $0x0  }
0x12: {  	s1 =	sld [smem:$0x3F9D];
	s0 =	simm.s32 @p0 $0x1  }
0x13: {  	[smem:$0x3FB8] =	sst s0;
	s0 =	simm.s32 @!p1 $0x0  }
0x14: {  	s2 =	sld [smem:$0x3F9C];
	s0 =	simm.s32 @p1 $0x1  }
0x15: {  	[smem:$0x3FB9] =	sst s0;
	s0 =	simm.s32 @!p2 $0x0  }
0x16: {  	s3 =	sld [smem:$0x3FDB];
	s0 =	simm.s32 @p2 $0x1  }
0x17: {  	s4 =	simm.s32 $0x1BF5;
	[smem:$0x3FBB] =	sst s0  }
0x18: {  	s0 =	sld [smem:$0x3F9E];
	_ =	swait.ge [sflag:s4], $0x0  }
0x19: {  	s7 =	sld [smem:$0x3F9F]  }
0x1a: {  	s8 =	sadd.s32 $0xFFFFE003, lr  }
0x1b: {  	s9 =	sadd.s32 $0xFFFFFEF7, lr;
	s5 =	simm.s32 $0xFFFFFFFF;
	p2 =	slt.u32 s8, $0xFFFFF086  }
0x1c: {  	p1 =	slt.u32 s9, $0xF7A;
	s5 =	simm.s32 @!p2 $0x0  }
0x1d: {  	s5 =	simm.s32 @p1 $0x1;
	p0 =	seq.s32 s7, s2  }
0x1e: {  	s7 =	smul.u32 @!p0 $0xF7A, s2;
	p2 =	seq.s32 @!p0 s5, $0x0  }
0x1f: {  	s9 =	smul.u32 $0xF7A, s1;
	s8 =	simm.s32 @!p0 $0x1BF5;
	p2 =	por !p2, p0  }
0x20: {  	[sflag:s8] =	ssyncset.s32 @!p0 $0xFFFFF086;
	s6 =	sadd.s32 @!p0 s3, s7;
	s7 =	simm.s32 @!p0 $0x108  }
0x21: {  	s3 =	sadd.s32 s3, s9;
	s6 =	sadd.s32 @!p0 $0x88, s6;
	s7 =	simm.s32 @p2 $0x1082  }
0x22: {  	[simem:s7], [sflag:s8] =	dma.local @!p0 [hbm:s6], $0xF7A  }
0x23: {  	s9 =	sor.u32 $0xD0000000, s2;
	s6 =	simm.s32 $0x108;
	_ =	swait.ge @!p0 [sflag:s8], $0x0  }
0x24: {  	s3 =	sadd.s32 $0x88, s3;
	s6 =	simm.s32 @!p1 $0x1082;
	[sflag:s4] =	ssyncset.s32 $0xFFFFF086  }
0x25: {  	[simem:s6], [sflag:s4] =	dma.local [hbm:s3], $0xF7A  }
0x26: {  	[smem:$0x3F9F] =	sst s1;
	(tag) =	ssettag s2;
	_ =	strace s9  }
0x27: {  	s1 =	sld [smem:$0x3FAF]  }
0x28: {  	s2 =	sld [smem:$0x3FB0]  }
0x29: {  	s4 =	sld [smem:$0x3FB2]  }
0x2a: {  	p0 =	seq.s32 s5, $0x0;
	s5 =	sld [smem:$0x3FB3]  }
0x2b: {  	s6 =	sld [smem:$0x3FB4]  }
0x2c: {  	s7 =	sld [smem:$0x3FB5]  }
0x2d: {  	s3 =	simm.s32 $0x108;
	s8 =	sld [smem:$0x3FB6]  }
0x2e: {  	s3 =	simm.s32 @!p0 $0x1082;
	s9 =	sld [smem:$0x3FB7]  }
0x2f: {  	lr =	sadd.s32 s0, s3;
	s0 =	sld [smem:$0x3FAE]  }
0x30: {  	s3 =	sld [smem:$0x3FB1]  }
0x31: {  	[smem:$0x3FBA] =	sst s10  }
0x32: {  	s10 =	sld [smem:$0x3FB8];
	_ =	sdelay $0x3  }
0x33: {  	p0 =	seq.s32 s10, $0x1;
	s10 =	sld [smem:$0x3FBA];
	_ =	sdelay $0x3  }
0x34: {  	[smem:$0x3FBA] =	sst s10  }
0x35: {  	s10 =	sld [smem:$0x3FB9];
	_ =	sdelay $0x3  }
0x36: {  	p1 =	seq.s32 s10, $0x1;
	s10 =	sld [smem:$0x3FBA];
	_ =	sdelay $0x3  }
0x37: {  	[smem:$0x3FBA] =	sst s10  }
0x38: {  	s10 =	sld [smem:$0x3FBB]  }
0x39: {  	_ = 	snop;
	(pc) =	sbr.ind lr, $3  }
0x3a: {  	_ = 	snop  }
0x3b: {  	_ = 	snop  }
0x3c: {  	p2 =	seq.s32 s10, $0x1;
	s10 =	sld [smem:$0x3FBA]  }
0x3d: {  	_ =	shalt  }
0x3e: {  	_ =	shalt  }
0x3f: {  	_ =	shalt  }
0x40: {  	_ =	shalt  }
0x41: {  	_ =	shalt  }
0x42: {  	_ =	shalt  }
0x43: {  	_ =	shalt  }
0x44: {  	_ =	shalt  }
0x45: {  	_ =	shalt  }
0x46: {  	_ =	shalt  }
0x47: {  	_ =	shalt  }
0x48: {  	_ =	shalt  }
0x49: {  	_ =	shalt  }
0x4a: {  	_ =	shalt  }
0x4b: {  	_ =	shalt  }
0x4c: {  	_ =	shalt  }
0x4d: {  	_ =	shalt  }
0x4e: {  	_ =	shalt  }
0x4f: {  	_ =	shalt  }
0x50: {  	_ =	shalt  }
0x51: {  	_ =	shalt  }
0x52: {  	_ =	shalt  }
0x53: {  	_ =	shalt  }
0x54: {  	_ =	shalt  }
0x55: {  	_ =	shalt  }
0x56: {  	_ =	shalt  }
0x57: {  	_ =	shalt  }
0x58: {  	_ =	shalt  }
0x59: {  	_ =	shalt  }
0x5a: {  	_ =	shalt  }
0x5b: {  	_ =	shalt  }
0x5c: {  	_ =	shalt  }
0x5d: {  	_ =	shalt  }
0x5e: {  	_ =	shalt  }
0x5f: {  	_ =	shalt  }
0x60: {  	_ =	shalt  }
0x61: {  	_ =	shalt  }
0x62: {  	_ =	shalt  }
0x63: {  	_ =	shalt  }
0x64: {  	_ =	shalt  }
0x65: {  	_ =	shalt  }
0x66: {  	_ =	shalt  }
0x67: {  	_ =	shalt  }
0x68: {  	_ =	shalt  }
0x69: {  	_ =	shalt  }
0x6a: {  	_ =	shalt  }
0x6b: {  	_ =	shalt  }
0x6c: {  	_ =	shalt  }
0x6d: {  	_ =	shalt  }
0x6e: {  	_ =	shalt  }
0x6f: {  	_ =	shalt  }
0x70: {  	_ =	shalt  }
0x71: {  	_ =	shalt  }
0x72: {  	_ =	shalt  }
0x73: {  	_ =	shalt  }
0x74: {  	_ =	shalt  }
0x75: {  	_ =	shalt  }
0x76: {  	_ =	shalt  }
0x77: {  	_ =	shalt  }
0x78: {  	_ =	shalt  }
0x79: {  	_ =	shalt  }
0x7a: {  	_ =	shalt  }
0x7b: {  	_ =	shalt  }
0x7c: {  	_ =	shalt  }
0x7d: {  	_ =	shalt  }
0x7e: {  	_ =	shalt  }
0x7f: {  	_ =	shalt  }
0x80: {  	_ =	shalt  }
0x81: {  	_ =	shalt  }
0x82: {  	_ =	shalt  }
0x83: {  	_ =	shalt  }
0x84: {  	_ =	shalt  }
0x85: {  	_ =	shalt  }
0x86: {  	_ =	shalt  }
0x87: {  	_ =	shalt  }
.Lfunc_end0:
.L_simem_size_0:
called_computation_lowered:
.L_overlay_start_0:
0x88: {  	s2 =	sld [smem:$0x3FD9]  }
0x89: {  	s3 =	sld [smem:$0x3FFE];
	_ =	sdelay $0x1  }
0x8a: {  	s1 =	srdreg.scid  }
0x8b: {  	s0 =	sand.u32 $0x1, s1  }
0x8c: {  	s5 =	sshll.u32 s0, $0xA;
	s2 =	sadd.s32 s3, s2  }
0x8d: {  	s2 =	sadd.s32 s2, s5  }
0x8e: {  	s4 =	simm.s32 $0x0;
	[smem:$0x3FC6] =	sst s2  }
0x8f: {  	[smem:$0xF] =	sst s4  }
0x90: {  	s2 =	sld [smem:$0x3FC9]  }
0x91: {  	s21 =	sld [smem:$0x3FC8]  }
0x92: {  	s6 =	sld [smem:$0x3FD0];
	(tm) =	ssettm $0x1  }
0x93: {  	s22 =	sld [smem:$0x3FFB];
	_ =	sdelay $0x3  }
0x94: {  	_ =	strace s22  }
0x95: {  	s4 =	sld [smem:$0x3FFC];
	_ =	sdelay $0x3  }
0x96: {  	_ =	strace s4  }
0x97: {  	s4 =	sld [smem:$0x3FFD];
	_ =	sdelay $0x3  }
0x98: {  	_ =	strace s4  }
0x99: {  	s23 =	simm.s32 $0x1B8B;
	_ =	strace $0x8FFFFFFF  }
0x9a: {  	_ =	swait.ge [sflag:s23], $0x1  }
0x9b: {  	[sflag:s23] =	ssyncset.done $0x0  }
0x9c: {  	s24 =	simm.s32 $0x1B8E;
	[sflag:s23] =	ssyncadd.s32 $0xFFFFFFFF  }
0x9d: {  	[smem:$0x3FD2] =	sst s24  }
0x9e: {  	s25 =	simm.s32 $0xA;
	s7 =	simm.s32 $0x10;
	_ =	strace $0x80000046  }
0x9f: {  	[smem:s7], [sflag:s25] =	dma.local [hbm:s21], $0x10  }
0xa0: {  	_ =	swait.ge [sflag:s25], $0x10  }
0xa1: {  	s3 =	sshll.u32 s0, $0x3;
	[sflag:s25] =	ssyncset.done $0x0  }
0xa2: {  	s26 =	sor.u32 $0x10, s3;
	[sflag:s25] =	ssyncadd.s32 $0xFFFFFFF0  }
0xa3: {  	s4 =	sld [smem:s26+$0x0];
	_ =	sdelay $0x3  }
0xa4: {  	s28 =	sadd.s32 $0xFFFFFFFF, s4  }
0xa5: {  	s29 =	sshll.u32 s0, $0x19;
	s8 =	sshll.u32 s28, $0xA  }
0xa6: {  	s7 =	sshll.u32 s28, $0x7;
	s8 =	sadd.s32 s29, s8  }
0xa7: {  	s7 =	sand.u32 $0x380, s7;
	s8 =	sand.u32 $0xFFFFE000, s8  }
0xa8: {  	s30 =	simm.s32 $0x80;
	s7 =	sor.u32 s7, s8  }
0xa9: {  	s31 =	simm.s32 $0x9;
	s10 =	sor.u32 $0x11, s3;
	s7 =	sshrl.u32 s7, $0x3  }
0xaa: {  	s6 =	sadd.s32 s5, s6;
	s8 =	simm.s32 $0x1;
	s9 =	sadd.s32 s2, s7  }
0xab: {  	[hbm:s6@s30], [sflag:s31] =	dma.strided [hbm:s9@s30], $0x80, s8, $0x10   }
0xac: {  	s9 =	sld [smem:s10+$0x0];
	_ =	sdelay $0x3  }
0xad: {  	s9 =	sadd.s32 $0xFFFFFFFF, s9  }
0xae: {  	s10 =	sshll.u32 s9, $0xA  }
0xaf: {  	s10 =	sadd.s32 s29, s10  }
0xb0: {  	s9 =	sshll.u32 s9, $0x7;
	s10 =	sadd.s32 $0x400000, s10  }
0xb1: {  	s9 =	sand.u32 $0x380, s9;
	s10 =	sand.u32 $0xFFFFE000, s10  }
0xb2: {  	s9 =	sor.u32 s9, s10  }
0xb3: {  	s9 =	sshrl.u32 s9, $0x3  }
0xb4: {  	s12 =	sor.u32 $0x12, s3;
	s11 =	sadd.s32 $0x10, s6;
	s9 =	sadd.s32 s2, s9  }
0xb5: {  	[hbm:s11@s30], [sflag:s31] =	dma.strided [hbm:s9@s30], $0x80, s8, $0x10   }
0xb6: {  	s9 =	sld [smem:s12+$0x0];
	_ =	sdelay $0x3  }
0xb7: {  	s9 =	sadd.s32 $0xFFFFFFFF, s9  }
0xb8: {  	s13 =	sshll.u32 s9, $0xA  }
0xb9: {  	s10 =	sadd.s32 s29, s13  }
0xba: {  	s9 =	sshll.u32 s9, $0x7;
	s10 =	sadd.s32 $0x800000, s10  }
0xbb: {  	s9 =	sand.u32 $0x380, s9;
	s10 =	sand.u32 $0xFFFFE000, s10  }
0xbc: {  	s9 =	sor.u32 s9, s10  }
0xbd: {  	s9 =	sshrl.u32 s9, $0x3  }
0xbe: {  	s15 =	sor.u32 $0x13, s3;
	s14 =	sadd.s32 $0x20, s6;
	s9 =	sadd.s32 s2, s9  }
0xbf: {  	[hbm:s14@s30], [sflag:s31] =	dma.strided [hbm:s9@s30], $0x80, s8, $0x10   }
0xc0: {  	s9 =	sld [smem:s15+$0x0];
	_ =	sdelay $0x3  }
0xc1: {  	s9 =	sadd.s32 $0xFFFFFFFF, s9  }
0xc2: {  	s16 =	sshll.u32 s9, $0xA  }
0xc3: {  	s10 =	sadd.s32 s29, s16  }
0xc4: {  	s9 =	sshll.u32 s9, $0x7;
	s10 =	sadd.s32 $0xC00000, s10  }
0xc5: {  	s9 =	sand.u32 $0x380, s9;
	s10 =	sand.u32 $0xFFFFE000, s10  }
0xc6: {  	s9 =	sor.u32 s9, s10  }
0xc7: {  	s9 =	sshrl.u32 s9, $0x3  }
0xc8: {  	s18 =	sor.u32 $0x14, s3;
	s17 =	sadd.s32 $0x30, s6;
	s9 =	sadd.s32 s2, s9  }
0xc9: {  	[hbm:s17@s30], [sflag:s31] =	dma.strided [hbm:s9@s30], $0x80, s8, $0x10   }
0xca: {  	s9 =	sld [smem:s18+$0x0];
	_ =	sdelay $0x3  }
0xcb: {  	s9 =	sadd.s32 $0xFFFFFFFF, s9  }
0xcc: {  	s19 =	sshll.u32 s9, $0xA  }
0xcd: {  	s10 =	sadd.s32 s29, s19  }
0xce: {  	s9 =	sshll.u32 s9, $0x7;
	s10 =	sadd.s32 $0x1000000, s10  }
0xcf: {  	s9 =	sand.u32 $0x380, s9;
	s10 =	sand.u32 $0xFFFFE000, s10  }
0xd0: {  	s9 =	sor.u32 s9, s10  }
0xd1: {  	s9 =	sshrl.u32 s9, $0x3  }
0xd2: {  	s20 =	sadd.s32 $0x40, s6;
	s21 =	sor.u32 $0x15, s3;
	s9 =	sadd.s32 s2, s9  }
0xd3: {  	[hbm:s20@s30], [sflag:s31] =	dma.strided [hbm:s9@s30], $0x80, s8, $0x10   }
0xd4: {  	s9 =	sld [smem:s21+$0x0];
	_ =	sdelay $0x3  }
0xd5: {  	s9 =	sadd.s32 $0xFFFFFFFF, s9  }
0xd6: {  	s22 =	sshll.u32 s9, $0xA  }
0xd7: {  	s10 =	sadd.s32 s29, s22  }
0xd8: {  	s9 =	sshll.u32 s9, $0x7;
	s10 =	sadd.s32 $0x1400000, s10  }
0xd9: {  	s9 =	sand.u32 $0x380, s9;
	s10 =	sand.u32 $0xFFFFE000, s10  }
0xda: {  	s9 =	sor.u32 s9, s10  }
0xdb: {  	s9 =	sshrl.u32 s9, $0x3  }
0xdc: {  	s23 =	sadd.s32 $0x50, s6;
	s24 =	sor.u32 $0x16, s3;
	s9 =	sadd.s32 s2, s9  }
0xdd: {  	[hbm:s23@s30], [sflag:s31] =	dma.strided [hbm:s9@s30], $0x80, s8, $0x10   }
0xde: {  	s9 =	sld [smem:s24+$0x0];
	_ =	sdelay $0x3  }
0xdf: {  	s9 =	sadd.s32 $0xFFFFFFFF, s9  }
0xe0: {  	s25 =	sshll.u32 s9, $0xA  }
0xe1: {  	s10 =	sadd.s32 s29, s25  }
0xe2: {  	s9 =	sshll.u32 s9, $0x7;
	s10 =	sadd.s32 $0x1800000, s10  }
0xe3: {  	s9 =	sand.u32 $0x380, s9;
	s10 =	sand.u32 $0xFFFFE000, s10  }
0xe4: {  	s9 =	sor.u32 s9, s10  }
0xe5: {  	s9 =	sshrl.u32 s9, $0x3  }
0xe6: {  	s3 =	sor.u32 $0x17, s3;
	s26 =	sadd.s32 $0x60, s6;
	s9 =	sadd.s32 s2, s9  }
0xe7: {  	[hbm:s26@s30], [sflag:s31] =	dma.strided [hbm:s9@s30], $0x80, s8, $0x10   }
0xe8: {  	s3 =	sld [smem:s3+$0x0];
	_ =	sdelay $0x3  }
0xe9: {  	s3 =	sadd.s32 $0xFFFFFFFF, s3  }
0xea: {  	s28 =	sshll.u32 s3, $0xA  }
0xeb: {  	s4 =	sadd.s32 s29, s28  }
0xec: {  	s3 =	sshll.u32 s3, $0x7;
	s4 =	sadd.s32 $0x1C00000, s4  }
0xed: {  	s3 =	sand.u32 $0x380, s3;
	s4 =	sand.u32 $0xFFFFE000, s4  }
0xee: {  	s3 =	sor.u32 s3, s4  }
0xef: {  	s3 =	sshrl.u32 s3, $0x3  }
0xf0: {  	s29 =	sadd.s32 $0x70, s6;
	s2 =	sadd.s32 s2, s3  }
0xf1: {  	[hbm:s29@s30], [sflag:s31] =	dma.strided [hbm:s2@s30], $0x80, s8, $0x10   }
0xf2: {  	_ =	swait.ge [sflag:s31], $0x400  }
0xf3: {  	[sflag:s31] =	ssyncset.done $0x0  }
0xf4: {  	[sflag:s31] =	ssyncadd.s32 $0xFFFFFC00  }
0xf5: {  	_ =	strace $0x90000046  }
0xf6: {  	_ =	sfence  }
0xf7: {  	s30 =	sld [smem:$0x0];
	_ =	sdelay $0x2  }
0xf8: {  	s31 =	sshll.u32 s1, $0xD;
	s1 =	sshrl.u32 s1, $0x2  }
0xf9: {  	s3 =	sand.u32 $0x4000, s31;
	s1 =	sadd.s32 s1, s30  }
0xfa: {  	s0 =	sor.u32 s3, s0;
	s1 =	sshll.u32 s1, $0x11  }
0xfb: {  	s0 =	sor.u32 s1, s0  }
0xfc: {  	s0 =	sadd.s32 $0x8F2B, s0;
	(pc) =	sbr.abs _section_cstart, $3  }
0xfd: {  	[sflag:s0] =	ssyncadd.remote.s32 $0x1  }
0xfe: {  	_ =	strace $0x9FFFFFFF  }
0xff: {  	(tm) =	ssettm $0x7FFFFFFF  }

</sc_bundles>
